<compile_context>
chip_gen: v7x
topology: tpu7x:2x2x1
jax: 0.10.2.dev20260603
libtpu: 0.0.44.dev20260713+nightly
codegen_flags: <defaults>
</compile_context>

<pallas_src>
import functools

import jax
import jax.numpy as jnp
from jax import lax
from jax.experimental import pallas as pl
from jax.experimental.pallas import tpu as pltpu
from jax.experimental.pallas import tpu_sc as plsc

_LANES = 16


def _lane_sum_splat(v):
    lanes = lax.iota(jnp.int32, _LANES)
    dnums = lax.GatherDimensionNumbers(
        offset_dims=(), collapsed_slice_dims=(0,), start_index_map=(0,)
    )
    for sh in (1, 2, 4, 8):
        idx = (lanes ^ sh).reshape(_LANES, 1)
        shuf = lax.gather(
            v, idx, dnums, (1,), mode=lax.GatherScatterMode.PROMISE_IN_BOUNDS
        )
        v = v + shuf
    return v


@functools.cache
def _build(B, L, V, D):
    info = plsc.get_sparse_core_info()
    NC, NS = info.num_cores, info.num_subcores
    NW = NC * NS
    assert B % NW == 0
    BPW = B // NW
    C = 16
    assert BPW % C == 0
    NCH = BPW // C
    DV = D // _LANES

    mesh = plsc.VectorSubcoreMesh(core_axis_name="c", subcore_axis_name="s")

    @functools.partial(
        pl.kernel,
        mesh=mesh,
        out_type=jax.ShapeDtypeStruct((B, D), jnp.float32),
        scratch_types=[
            pltpu.VMEM((C * L,), jnp.int32),
            pltpu.VMEM((C * L, D), jnp.float32),
            pltpu.VMEM((C, D), jnp.float32),
            pltpu.SemaphoreType.DMA,
        ],
        compiler_params=pltpu.CompilerParams(use_tc_tiling_on_sc=False),
    )
    def bag_kernel(idx_hbm, table_hbm, out_hbm, idx_v, rows_v, out_v, sem):
        wid = lax.axis_index("s") * NC + lax.axis_index("c")
        base = wid * BPW

        def chunk(g, carry):
            r0 = base + g * C
            pltpu.sync_copy(idx_hbm.at[pl.ds(r0 * L, C * L)], idx_v)
            pltpu.async_copy(table_hbm.at[idx_v], rows_v, sem).wait()

            def bag(c, carry2):
                def row(l, acc):
                    r = c * L + l
                    return tuple(
                        acc[j] + rows_v[r, pl.ds(j * _LANES, _LANES)]
                        for j in range(DV)
                    )

                zero = jnp.zeros((_LANES,), jnp.float32)
                a = lax.fori_loop(0, L, row, (zero,) * DV)

                ssv = a[0] * a[0]
                for j in range(1, DV):
                    ssv = ssv + a[j] * a[j]
                x = _lane_sum_splat(ssv)
                xi = lax.bitcast_convert_type(x, jnp.int32)
                y = lax.bitcast_convert_type(
                    jnp.int32(0x5F3759DF) - (xi >> 1), jnp.float32
                )
                for _ in range(3):
                    y = y * (jnp.float32(1.5) - jnp.float32(0.5) * x * y * y)
                nrm = jnp.maximum(x * y, jnp.float32(1e-12))
                for j in range(DV):
                    out_v[c, pl.ds(j * _LANES, _LANES)] = a[j] / nrm
                return carry2

            lax.fori_loop(0, C, bag, 0)
            pltpu.sync_copy(out_v, out_hbm.at[pl.ds(r0, C)])
            return carry

        lax.fori_loop(0, NCH, chunk, 0)

    return bag_kernel


def kernel(text_idxs, text_len, embedding_table):
    B, L = text_idxs.shape
    V, D = embedding_table.shape
    k = _build(B, L, V, D)
    idx_flat = text_idxs.astype(jnp.int32).reshape(-1)
    return k(idx_flat, embedding_table)

# --- scband reference (transcript-rebuilt; emitter-appended) ---
"""Pipeline reference for scband-mean-embedding-interface-8813272892038 (READ-ONLY COPY).

The authoritative reference and input builder live on the scoring server;
editing this copy changes nothing except your own understanding.
"""

import jax, jax.numpy as jnp
import numpy as np


def setup_inputs(seed: int = 0) -> dict:
    key = jax.random.key(seed)
    k1, k2, k3 = jax.random.split(key, 3)
    text_idxs = jax.random.randint(k1, (4096, 50), 0, 100000, dtype=jnp.int64 if jax.config.jax_enable_x64 else jnp.int32)
    text_len = jax.random.randint(k2, (4096,), 0, 50, dtype=jnp.int64 if jax.config.jax_enable_x64 else jnp.int32)
    embedding_table = jax.random.normal(k3, (100000, 64), dtype=jnp.float32)
    return {"text_idxs": text_idxs, "text_len": text_len, "embedding_table": embedding_table}


def reference(text_idxs, text_len, embedding_table):
    # emb = self.embedding(text_idxs)  -> gather rows from frozen table
    emb = jnp.take(embedding_table, text_idxs, axis=0)  # [B, L, D]
    # emb = torch.sum(emb, dim=1)
    emb = jnp.sum(emb, axis=1)  # [B, D]
    # emb = F.normalize(emb, dim=1)  (L2, eps=1e-12)
    norm = jnp.linalg.norm(emb, ord=2, axis=1, keepdims=True)
    norm = jnp.maximum(norm, 1e-12)
    return emb / norm

if __name__ == "__main__":
    import jax
    _d = setup_inputs()
    print(jax.jit(kernel)(*tuple(_d.values())))

</pallas_src>

<mosaic_0001>
#map = affine_map<(d0, d1) -> (0)>
#map1 = affine_map<(d0, d1) -> (0, 0)>
module attributes {stable_mosaic.version = 14 : i64} {
  func.func @bag_kernel(%arg0: i32, %arg1: i32, %arg2: memref<204800xi32, #tpu.memory_space<hbm>>, %arg3: memref<100000x64xf32, #tpu.memory_space<hbm>>, %arg4: memref<4096x64xf32, #tpu.memory_space<hbm>>, %arg5: memref<800xi32, #tpu.memory_space<vmem>>, %arg6: memref<800x64xf32, #tpu.memory_space<vmem>>, %arg7: memref<16x64xf32, #tpu.memory_space<vmem>>, %arg8: memref<!tpu.dma_semaphore, #tpu.memory_space<semaphore_mem>>) attributes {dimension_semantics = [#tpu.dimension_semantics<core_parallel>, #tpu.dimension_semantics<subcore_parallel>], iteration_bounds = array<i64: 2, 16>, scalar_prefetch = 0 : i64, scratch_operands = 4 : i64, tpu.core_type = #tpu.core_type<sc_vector_subcore>, window_params = [{transform_indices = #map}, {transform_indices = #map1}, {transform_indices = #map1}]} {
    %mul3A = arith.constant 2 : i32
    %mul3A_0 = arith.muli %arg1, %mul3A : i32
    %add3A = arith.addi %mul3A_0, %arg0 : i32
    %mul3A_1 = arith.constant 128 : i32
    %mul3A_2 = arith.muli %add3A, %mul3A_1 : i32
    %scan3A = arith.constant 0 : i32
    %scan3A_3 = arith.constant 0 : i32
    %scan3A_4 = arith.constant 8 : i32
    %scan3A_5 = arith.addi %scan3A_3, %scan3A_4 : i32
    %scan3A_6 = arith.constant 1 : i32
    scf.for %scan3A_8 = %scan3A_3 to %scan3A_5 step %scan3A_6  : i32 {
      %mul3A_9 = arith.constant 16 : i32
      %mul3A_10 = arith.muli %scan3A_8, %mul3A_9 : i32
      %add3A_11 = arith.addi %mul3A_2, %mul3A_10 : i32
      %mul3A_12 = arith.constant 50 : i32
      %mul3A_13 = arith.muli %add3A_11, %mul3A_12 : i32
      "tpu.region"() ({
        %run_scoped3A = tpu.sem_alloc : memref<!tpu.dma_semaphore, #tpu.memory_space<semaphore_mem>>
        %dma_start3A_24 = tpu.memref_slice %arg2[%mul3A_13] : memref<204800xi32, #tpu.memory_space<hbm>> -> memref<800xi32, #tpu.memory_space<hbm>>
        %dma_start3A_25 = tpu.memref_slice %arg2[%mul3A_13] : memref<204800xi32, #tpu.memory_space<hbm>> -> memref<800xi32, #tpu.memory_space<hbm>>
        tpu.enqueue_dma source(%dma_start3A_25 : memref<800xi32, #tpu.memory_space<hbm>>) target(%arg5 : memref<800xi32, #tpu.memory_space<vmem>>) target_semaphore(%run_scoped3A : memref<!tpu.dma_semaphore, #tpu.memory_space<semaphore_mem>>)
        %dma_wait3A_26 = tpu.memref_slice %arg2[%mul3A_13] : memref<204800xi32, #tpu.memory_space<hbm>> -> memref<800xi32, #tpu.memory_space<hbm>>
        %dma_wait3A_27 = tpu.memref_slice %arg2[%mul3A_13] : memref<204800xi32, #tpu.memory_space<hbm>> -> memref<800xi32, #tpu.memory_space<hbm>>
        tpu.wait_dma2 semaphore(%run_scoped3A : memref<!tpu.dma_semaphore, #tpu.memory_space<semaphore_mem>>) src(%dma_wait3A_27 : memref<800xi32, #tpu.memory_space<hbm>>) dst(%arg5 : memref<800xi32, #tpu.memory_space<vmem>>)
        tpu.yield
      }) : () -> ()
      %dma_start3A = arith.constant 0 : i32
      %dma_start3A_14 = arith.constant 0 : i32
      %dma_start3A_15 = tpu.memref_slice %arg3[%dma_start3A, %dma_start3A_14] : memref<100000x64xf32, #tpu.memory_space<hbm>> -> memref<100000x64xf32, #tpu.memory_space<hbm>>
      tpu.enqueue_indirect_dma source(%dma_start3A_15 : memref<100000x64xf32, #tpu.memory_space<hbm>>) target(%arg6 : memref<800x64xf32, #tpu.memory_space<vmem>>) offsets(%arg5 : memref<800xi32, #tpu.memory_space<vmem>>) semaphore(%arg8 : memref<!tpu.dma_semaphore, #tpu.memory_space<semaphore_mem>>)
      %dma_wait3A = arith.constant 0 : i32
      %dma_wait3A_16 = arith.constant 0 : i32
      %dma_wait3A_17 = tpu.memref_slice %arg3[%dma_wait3A, %dma_wait3A_16] : memref<100000x64xf32, #tpu.memory_space<hbm>> -> memref<100000x64xf32, #tpu.memory_space<hbm>>
      tpu.wait_indirect_dma semaphore(%arg8 : memref<!tpu.dma_semaphore, #tpu.memory_space<semaphore_mem>>) src(%dma_wait3A_17 : memref<100000x64xf32, #tpu.memory_space<hbm>>) dst(%arg6 : memref<800x64xf32, #tpu.memory_space<vmem>>)
      %scan3A_18 = arith.constant 0 : i32
      %scan3A_19 = arith.constant 0 : i32
      %scan3A_20 = arith.constant 16 : i32
      %scan3A_21 = arith.addi %scan3A_19, %scan3A_20 : i32
      %scan3A_22 = arith.constant 1 : i32
      scf.for %scan3A_24 = %scan3A_19 to %scan3A_21 step %scan3A_22  : i32 {
        %broadcast_in_dim3A = arith.constant 0.000000e+00 : f32
        %broadcast_in_dim3A_25 = vector.broadcast %broadcast_in_dim3A : f32 to vector<16xf32>
        %scan3A_26 = arith.constant 0 : i32
        %scan3A_27 = arith.constant 50 : i32
        %scan3A_28 = arith.addi %scan3A_26, %scan3A_27 : i32
        %scan3A_29 = arith.constant 1 : i32
        %scan3A_30:4 = scf.for %scan3A_121 = %scan3A_26 to %scan3A_28 step %scan3A_29 iter_args(%scan3A_122 = %broadcast_in_dim3A_25, %scan3A_123 = %broadcast_in_dim3A_25, %scan3A_124 = %broadcast_in_dim3A_25, %scan3A_125 = %broadcast_in_dim3A_25) -> (vector<16xf32>, vector<16xf32>, vector<16xf32>, vector<16xf32>)  : i32 {
          %mul3A_126 = arith.constant 50 : i32
          %mul3A_127 = arith.muli %scan3A_24, %mul3A_126 : i32
          %add3A_128 = arith.addi %mul3A_127, %scan3A_121 : i32
          %get3A = arith.index_cast %add3A_128 : i32 to index
          %get3A_129 = arith.constant 0 : index
          %get3A_130 = tpu.vector_load %arg6[%get3A, %get3A_129] {strides = array<i32>} : memref<800x64xf32, #tpu.memory_space<vmem>>, vector<1x16xf32>,
          %get3A_131 = vector.shape_cast %get3A_130 : vector<1x16xf32> to vector<16xf32>
          %add3A_132 = arith.addf %scan3A_122, %get3A_131 : vector<16xf32>
          %get3A_133 = arith.index_cast %add3A_128 : i32 to index
          %get3A_134 = arith.constant 16 : index
          %get3A_135 = tpu.vector_load %arg6[%get3A_133, %get3A_134] {strides = array<i32>} : memref<800x64xf32, #tpu.memory_space<vmem>>, vector<1x16xf32>,
          %get3A_136 = vector.shape_cast %get3A_135 : vector<1x16xf32> to vector<16xf32>
          %add3A_137 = arith.addf %scan3A_123, %get3A_136 : vector<16xf32>
          %get3A_138 = arith.index_cast %add3A_128 : i32 to index
          %get3A_139 = arith.constant 32 : index
          %get3A_140 = tpu.vector_load %arg6[%get3A_138, %get3A_139] {strides = array<i32>} : memref<800x64xf32, #tpu.memory_space<vmem>>, vector<1x16xf32>,
          %get3A_141 = vector.shape_cast %get3A_140 : vector<1x16xf32> to vector<16xf32>
          %add3A_142 = arith.addf %scan3A_124, %get3A_141 : vector<16xf32>
          %get3A_143 = arith.index_cast %add3A_128 : i32 to index
          %get3A_144 = arith.constant 48 : index
          %get3A_145 = tpu.vector_load %arg6[%get3A_143, %get3A_144] {strides = array<i32>} : memref<800x64xf32, #tpu.memory_space<vmem>>, vector<1x16xf32>,
          %get3A_146 = vector.shape_cast %get3A_145 : vector<1x16xf32> to vector<16xf32>
          %add3A_147 = arith.addf %scan3A_125, %get3A_146 : vector<16xf32>
          scf.yield %add3A_132, %add3A_137, %add3A_142, %add3A_147 : vector<16xf32>, vector<16xf32>, vector<16xf32>, vector<16xf32>
        }
        %scan3A_31 = arith.constant 50 : i32
        %mul3A_32 = arith.mulf %scan3A_30#0, %scan3A_30#0 : vector<16xf32>
        %mul3A_33 = arith.mulf %scan3A_30#1, %scan3A_30#1 : vector<16xf32>
        %add3A_34 = arith.addf %mul3A_32, %mul3A_33 : vector<16xf32>
        %mul3A_35 = arith.mulf %scan3A_30#2, %scan3A_30#2 : vector<16xf32>
        %add3A_36 = arith.addf %add3A_34, %mul3A_35 : vector<16xf32>
        %mul3A_37 = arith.mulf %scan3A_30#3, %scan3A_30#3 : vector<16xf32>
        %add3A_38 = arith.addf %add3A_36, %mul3A_37 : vector<16xf32>
        %iota3A = tpu.iota {dimensions = array<i32: 0>} : vector<16xi32>
        %xor3A = arith.constant 1 : i32
        %xor3A_39 = vector.broadcast %xor3A : i32 to vector<16xi32>
        %xor3A_40 = arith.xori %iota3A, %xor3A_39 : vector<16xi32>
        %reshape3A = vector.shape_cast %xor3A_40 : vector<16xi32> to vector<16x1xi32>
        %gather3A = vector.shape_cast %reshape3A : vector<16x1xi32> to vector<16xi32>
        %gather3A_41 = tpu.dynamic_gather %add3A_38[%gather3A] in [0] : vector<16xf32>, vector<16xi32> -> vector<16xf32>
        %add3A_42 = arith.addf %add3A_38, %gather3A_41 : vector<16xf32>
        %xor3A_43 = arith.constant 2 : i32
        %xor3A_44 = vector.broadcast %xor3A_43 : i32 to vector<16xi32>
        %xor3A_45 = arith.xori %iota3A, %xor3A_44 : vector<16xi32>
        %reshape3A_46 = vector.shape_cast %xor3A_45 : vector<16xi32> to vector<16x1xi32>
        %gather3A_47 = vector.shape_cast %reshape3A_46 : vector<16x1xi32> to vector<16xi32>
        %gather3A_48 = tpu.dynamic_gather %add3A_42[%gather3A_47] in [0] : vector<16xf32>, vector<16xi32> -> vector<16xf32>
        %add3A_49 = arith.addf %add3A_42, %gather3A_48 : vector<16xf32>
        %xor3A_50 = arith.constant 4 : i32
        %xor3A_51 = vector.broadcast %xor3A_50 : i32 to vector<16xi32>
        %xor3A_52 = arith.xori %iota3A, %xor3A_51 : vector<16xi32>
        %reshape3A_53 = vector.shape_cast %xor3A_52 : vector<16xi32> to vector<16x1xi32>
        %gather3A_54 = vector.shape_cast %reshape3A_53 : vector<16x1xi32> to vector<16xi32>
        %gather3A_55 = tpu.dynamic_gather %add3A_49[%gather3A_54] in [0] : vector<16xf32>, vector<16xi32> -> vector<16xf32>
        %add3A_56 = arith.addf %add3A_49, %gather3A_55 : vector<16xf32>
        %xor3A_57 = arith.constant 8 : i32
        %xor3A_58 = vector.broadcast %xor3A_57 : i32 to vector<16xi32>
        %xor3A_59 = arith.xori %iota3A, %xor3A_58 : vector<16xi32>
        %reshape3A_60 = vector.shape_cast %xor3A_59 : vector<16xi32> to vector<16x1xi32>
        %gather3A_61 = vector.shape_cast %reshape3A_60 : vector<16x1xi32> to vector<16xi32>
        %gather3A_62 = tpu.dynamic_gather %add3A_56[%gather3A_61] in [0] : vector<16xf32>, vector<16xi32> -> vector<16xf32>
        %add3A_63 = arith.addf %add3A_56, %gather3A_62 : vector<16xf32>
        %bitcast_convert_type3A = tpu.bitcast %add3A_63 : vector<16xf32> -> vector<16xi32>
        %shift_right_arithmetic3A = arith.constant 1 : i32
        %shift_right_arithmetic3A_64 = vector.broadcast %shift_right_arithmetic3A : i32 to vector<16xi32>
        %shift_right_arithmetic3A_65 = arith.shrsi %bitcast_convert_type3A, %shift_right_arithmetic3A_64 : vector<16xi32>
        %sub3A = arith.constant 1597463007 : i32
        %sub3A_66 = vector.broadcast %sub3A : i32 to vector<16xi32>
        %sub3A_67 = arith.subi %sub3A_66, %shift_right_arithmetic3A_65 : vector<16xi32>
        %bitcast_convert_type3A_68 = tpu.bitcast %sub3A_67 : vector<16xi32> -> vector<16xf32>
        %mul3A_69 = arith.constant 5.000000e-01 : f32
        %mul3A_70 = vector.broadcast %mul3A_69 : f32 to vector<16xf32>
        %mul3A_71 = arith.mulf %mul3A_70, %add3A_63 : vector<16xf32>
        %mul3A_72 = arith.mulf %mul3A_71, %bitcast_convert_type3A_68 : vector<16xf32>
        %mul3A_73 = arith.mulf %mul3A_72, %bitcast_convert_type3A_68 : vector<16xf32>
        %sub3A_74 = arith.constant 1.500000e+00 : f32
        %sub3A_75 = vector.broadcast %sub3A_74 : f32 to vector<16xf32>
        %sub3A_76 = arith.subf %sub3A_75, %mul3A_73 : vector<16xf32>
        %mul3A_77 = arith.mulf %bitcast_convert_type3A_68, %sub3A_76 : vector<16xf32>
        %mul3A_78 = arith.constant 5.000000e-01 : f32
        %mul3A_79 = vector.broadcast %mul3A_78 : f32 to vector<16xf32>
        %mul3A_80 = arith.mulf %mul3A_79, %add3A_63 : vector<16xf32>
        %mul3A_81 = arith.mulf %mul3A_80, %mul3A_77 : vector<16xf32>
        %mul3A_82 = arith.mulf %mul3A_81, %mul3A_77 : vector<16xf32>
        %sub3A_83 = arith.constant 1.500000e+00 : f32
        %sub3A_84 = vector.broadcast %sub3A_83 : f32 to vector<16xf32>
        %sub3A_85 = arith.subf %sub3A_84, %mul3A_82 : vector<16xf32>
        %mul3A_86 = arith.mulf %mul3A_77, %sub3A_85 : vector<16xf32>
        %mul3A_87 = arith.constant 5.000000e-01 : f32
        %mul3A_88 = vector.broadcast %mul3A_87 : f32 to vector<16xf32>
        %mul3A_89 = arith.mulf %mul3A_88, %add3A_63 : vector<16xf32>
        %mul3A_90 = arith.mulf %mul3A_89, %mul3A_86 : vector<16xf32>
        %mul3A_91 = arith.mulf %mul3A_90, %mul3A_86 : vector<16xf32>
        %sub3A_92 = arith.constant 1.500000e+00 : f32
        %sub3A_93 = vector.broadcast %sub3A_92 : f32 to vector<16xf32>
        %sub3A_94 = arith.subf %sub3A_93, %mul3A_91 : vector<16xf32>
        %mul3A_95 = arith.mulf %mul3A_86, %sub3A_94 : vector<16xf32>
        %mul3A_96 = arith.mulf %add3A_63, %mul3A_95 : vector<16xf32>
        %max3A = arith.constant 9.99999996E-13 : f32
        %max3A_97 = vector.broadcast %max3A : f32 to vector<16xf32>
        %max3A_98 = arith.maximumf %mul3A_96, %max3A_97 : vector<16xf32>
        %div3A = arith.divf %scan3A_30#0, %max3A_98 : vector<16xf32>
        %swap3A = arith.index_cast %scan3A_24 : i32 to index
        %swap3A_99 = arith.constant 0 : index
        %swap3A_100 = tpu.vector_load %arg7[%swap3A, %swap3A_99] {strides = array<i32>} : memref<16x64xf32, #tpu.memory_space<vmem>>, vector<1x16xf32>,
        %swap3A_101 = vector.shape_cast %swap3A_100 : vector<1x16xf32> to vector<16xf32>
        %swap3A_102 = vector.shape_cast %div3A : vector<16xf32> to vector<1x16xf32>
        tpu.vector_store %arg7[%swap3A, %swap3A_99], %swap3A_102 {strides = array<i32>} : memref<16x64xf32, #tpu.memory_space<vmem>>, vector<1x16xf32>,
        %div3A_103 = arith.divf %scan3A_30#1, %max3A_98 : vector<16xf32>
        %swap3A_104 = arith.index_cast %scan3A_24 : i32 to index
        %swap3A_105 = arith.constant 16 : index
        %swap3A_106 = tpu.vector_load %arg7[%swap3A_104, %swap3A_105] {strides = array<i32>} : memref<16x64xf32, #tpu.memory_space<vmem>>, vector<1x16xf32>,
        %swap3A_107 = vector.shape_cast %swap3A_106 : vector<1x16xf32> to vector<16xf32>
        %swap3A_108 = vector.shape_cast %div3A_103 : vector<16xf32> to vector<1x16xf32>
        tpu.vector_store %arg7[%swap3A_104, %swap3A_105], %swap3A_108 {strides = array<i32>} : memref<16x64xf32, #tpu.memory_space<vmem>>, vector<1x16xf32>,
        %div3A_109 = arith.divf %scan3A_30#2, %max3A_98 : vector<16xf32>
        %swap3A_110 = arith.index_cast %scan3A_24 : i32 to index
        %swap3A_111 = arith.constant 32 : index
        %swap3A_112 = tpu.vector_load %arg7[%swap3A_110, %swap3A_111] {strides = array<i32>} : memref<16x64xf32, #tpu.memory_space<vmem>>, vector<1x16xf32>,
        %swap3A_113 = vector.shape_cast %swap3A_112 : vector<1x16xf32> to vector<16xf32>
        %swap3A_114 = vector.shape_cast %div3A_109 : vector<16xf32> to vector<1x16xf32>
        tpu.vector_store %arg7[%swap3A_110, %swap3A_111], %swap3A_114 {strides = array<i32>} : memref<16x64xf32, #tpu.memory_space<vmem>>, vector<1x16xf32>,
        %div3A_115 = arith.divf %scan3A_30#3, %max3A_98 : vector<16xf32>
        %swap3A_116 = arith.index_cast %scan3A_24 : i32 to index
        %swap3A_117 = arith.constant 48 : index
        %swap3A_118 = tpu.vector_load %arg7[%swap3A_116, %swap3A_117] {strides = array<i32>} : memref<16x64xf32, #tpu.memory_space<vmem>>, vector<1x16xf32>,
        %swap3A_119 = vector.shape_cast %swap3A_118 : vector<1x16xf32> to vector<16xf32>
        %swap3A_120 = vector.shape_cast %div3A_115 : vector<16xf32> to vector<1x16xf32>
        tpu.vector_store %arg7[%swap3A_116, %swap3A_117], %swap3A_120 {strides = array<i32>} : memref<16x64xf32, #tpu.memory_space<vmem>>, vector<1x16xf32>,
      }
      %scan3A_23 = arith.constant 16 : i32
      "tpu.region"() ({
        %run_scoped3A = tpu.sem_alloc : memref<!tpu.dma_semaphore, #tpu.memory_space<semaphore_mem>>
        %dma_start3A_24 = arith.constant 0 : i32
        %dma_start3A_25 = tpu.memref_slice %arg4[%add3A_11, %dma_start3A_24] : memref<4096x64xf32, #tpu.memory_space<hbm>> -> memref<16x64xf32, #tpu.memory_space<hbm>>
        %dma_start3A_26 = arith.constant 0 : i32
        %dma_start3A_27 = tpu.memref_slice %arg4[%add3A_11, %dma_start3A_26] : memref<4096x64xf32, #tpu.memory_space<hbm>> -> memref<16x64xf32, #tpu.memory_space<hbm>>
        tpu.enqueue_dma source(%arg7 : memref<16x64xf32, #tpu.memory_space<vmem>>) target(%dma_start3A_27 : memref<16x64xf32, #tpu.memory_space<hbm>>) target_semaphore(%run_scoped3A : memref<!tpu.dma_semaphore, #tpu.memory_space<semaphore_mem>>)
        %dma_wait3A_28 = arith.constant 0 : i32
        %dma_wait3A_29 = tpu.memref_slice %arg4[%add3A_11, %dma_wait3A_28] : memref<4096x64xf32, #tpu.memory_space<hbm>> -> memref<16x64xf32, #tpu.memory_space<hbm>>
        %dma_wait3A_30 = arith.constant 0 : i32
        %dma_wait3A_31 = tpu.memref_slice %arg4[%add3A_11, %dma_wait3A_30] : memref<4096x64xf32, #tpu.memory_space<hbm>> -> memref<16x64xf32, #tpu.memory_space<hbm>>
        tpu.wait_dma2 semaphore(%run_scoped3A : memref<!tpu.dma_semaphore, #tpu.memory_space<semaphore_mem>>) src(%arg7 : memref<16x64xf32, #tpu.memory_space<vmem>>) dst(%dma_wait3A_31 : memref<16x64xf32, #tpu.memory_space<hbm>>)
        tpu.yield
      }) : () -> ()
    }
    %scan3A_7 = arith.constant 8 : i32
    return
  }
}

</mosaic_0001>

<sc_bundles>
// kernel: kernel.3.cloned.1.call-start
scs
__scs_entry_jumppad:
0x0: {  	(pc) =	sbr.rel $0x88, $3  }
0x1: {  	(tag) =	ssettag $0x0;
	lr =	simm.s32 $0x1  }
0x2: {  	[smem:$0x3F9F] =	sst lr;
	_ =	strace $0xD0000000  }
0x3: {  	_ = 	snop  }
0x4: {  	_ = 	snop  }
0x5: {  	_ = 	snop  }
0x6: {  	_ = 	snop  }
0x7: {  	_ = 	snop  }
__scs_overlays_trampoline_lowered:
0x8: {  	[smem:$0x3FAE] =	sst s0  }
0x9: {  	[smem:$0x3FAF] =	sst s1  }
0xa: {  	[smem:$0x3FB0] =	sst s2  }
0xb: {  	[smem:$0x3FB1] =	sst s3  }
0xc: {  	[smem:$0x3FB2] =	sst s4  }
0xd: {  	[smem:$0x3FB3] =	sst s5  }
0xe: {  	[smem:$0x3FB4] =	sst s6  }
0xf: {  	[smem:$0x3FB5] =	sst s7  }
0x10: {  	[smem:$0x3FB6] =	sst s8  }
0x11: {  	[smem:$0x3FB7] =	sst s9;
	s0 =	simm.s32 @!p0 $0x0  }
0x12: {  	s1 =	sld [smem:$0x3F9D];
	s0 =	simm.s32 @p0 $0x1  }
0x13: {  	[smem:$0x3FB8] =	sst s0;
	s0 =	simm.s32 @!p1 $0x0  }
0x14: {  	s2 =	sld [smem:$0x3F9C];
	s0 =	simm.s32 @p1 $0x1  }
0x15: {  	[smem:$0x3FB9] =	sst s0;
	s0 =	simm.s32 @!p2 $0x0  }
0x16: {  	s3 =	sld [smem:$0x3FDB];
	s0 =	simm.s32 @p2 $0x1  }
0x17: {  	s4 =	simm.s32 $0x1BF5;
	[smem:$0x3FBB] =	sst s0  }
0x18: {  	s0 =	sld [smem:$0x3F9E];
	_ =	swait.ge [sflag:s4], $0x0  }
0x19: {  	s7 =	sld [smem:$0x3F9F]  }
0x1a: {  	s8 =	sadd.s32 $0xFFFFE003, lr  }
0x1b: {  	s9 =	sadd.s32 $0xFFFFFEF7, lr;
	s5 =	simm.s32 $0xFFFFFFFF;
	p2 =	slt.u32 s8, $0xFFFFF086  }
0x1c: {  	p1 =	slt.u32 s9, $0xF7A;
	s5 =	simm.s32 @!p2 $0x0  }
0x1d: {  	s5 =	simm.s32 @p1 $0x1;
	p0 =	seq.s32 s7, s2  }
0x1e: {  	s7 =	smul.u32 @!p0 $0xF7A, s2;
	p2 =	seq.s32 @!p0 s5, $0x0  }
0x1f: {  	s9 =	smul.u32 $0xF7A, s1;
	s8 =	simm.s32 @!p0 $0x1BF5;
	p2 =	por !p2, p0  }
0x20: {  	[sflag:s8] =	ssyncset.s32 @!p0 $0xFFFFF086;
	s6 =	sadd.s32 @!p0 s3, s7;
	s7 =	simm.s32 @!p0 $0x108  }
0x21: {  	s3 =	sadd.s32 s3, s9;
	s6 =	sadd.s32 @!p0 $0x88, s6;
	s7 =	simm.s32 @p2 $0x1082  }
0x22: {  	[simem:s7], [sflag:s8] =	dma.local @!p0 [hbm:s6], $0xF7A  }
0x23: {  	s9 =	sor.u32 $0xD0000000, s2;
	s6 =	simm.s32 $0x108;
	_ =	swait.ge @!p0 [sflag:s8], $0x0  }
0x24: {  	s3 =	sadd.s32 $0x88, s3;
	s6 =	simm.s32 @!p1 $0x1082;
	[sflag:s4] =	ssyncset.s32 $0xFFFFF086  }
0x25: {  	[simem:s6], [sflag:s4] =	dma.local [hbm:s3], $0xF7A  }
0x26: {  	[smem:$0x3F9F] =	sst s1;
	(tag) =	ssettag s2;
	_ =	strace s9  }
0x27: {  	s1 =	sld [smem:$0x3FAF]  }
0x28: {  	s2 =	sld [smem:$0x3FB0]  }
0x29: {  	s4 =	sld [smem:$0x3FB2]  }
0x2a: {  	p0 =	seq.s32 s5, $0x0;
	s5 =	sld [smem:$0x3FB3]  }
0x2b: {  	s6 =	sld [smem:$0x3FB4]  }
0x2c: {  	s7 =	sld [smem:$0x3FB5]  }
0x2d: {  	s3 =	simm.s32 $0x108;
	s8 =	sld [smem:$0x3FB6]  }
0x2e: {  	s3 =	simm.s32 @!p0 $0x1082;
	s9 =	sld [smem:$0x3FB7]  }
0x2f: {  	lr =	sadd.s32 s0, s3;
	s0 =	sld [smem:$0x3FAE]  }
0x30: {  	s3 =	sld [smem:$0x3FB1]  }
0x31: {  	[smem:$0x3FBA] =	sst s10  }
0x32: {  	s10 =	sld [smem:$0x3FB8];
	_ =	sdelay $0x3  }
0x33: {  	p0 =	seq.s32 s10, $0x1;
	s10 =	sld [smem:$0x3FBA];
	_ =	sdelay $0x3  }
0x34: {  	[smem:$0x3FBA] =	sst s10  }
0x35: {  	s10 =	sld [smem:$0x3FB9];
	_ =	sdelay $0x3  }
0x36: {  	p1 =	seq.s32 s10, $0x1;
	s10 =	sld [smem:$0x3FBA];
	_ =	sdelay $0x3  }
0x37: {  	[smem:$0x3FBA] =	sst s10  }
0x38: {  	s10 =	sld [smem:$0x3FBB]  }
0x39: {  	_ = 	snop;
	(pc) =	sbr.ind lr, $3  }
0x3a: {  	_ = 	snop  }
0x3b: {  	_ = 	snop  }
0x3c: {  	p2 =	seq.s32 s10, $0x1;
	s10 =	sld [smem:$0x3FBA]  }
0x3d: {  	_ =	shalt  }
0x3e: {  	_ =	shalt  }
0x3f: {  	_ =	shalt  }
0x40: {  	_ =	shalt  }
0x41: {  	_ =	shalt  }
0x42: {  	_ =	shalt  }
0x43: {  	_ =	shalt  }
0x44: {  	_ =	shalt  }
0x45: {  	_ =	shalt  }
0x46: {  	_ =	shalt  }
0x47: {  	_ =	shalt  }
0x48: {  	_ =	shalt  }
0x49: {  	_ =	shalt  }
0x4a: {  	_ =	shalt  }
0x4b: {  	_ =	shalt  }
0x4c: {  	_ =	shalt  }
0x4d: {  	_ =	shalt  }
0x4e: {  	_ =	shalt  }
0x4f: {  	_ =	shalt  }
0x50: {  	_ =	shalt  }
0x51: {  	_ =	shalt  }
0x52: {  	_ =	shalt  }
0x53: {  	_ =	shalt  }
0x54: {  	_ =	shalt  }
0x55: {  	_ =	shalt  }
0x56: {  	_ =	shalt  }
0x57: {  	_ =	shalt  }
0x58: {  	_ =	shalt  }
0x59: {  	_ =	shalt  }
0x5a: {  	_ =	shalt  }
0x5b: {  	_ =	shalt  }
0x5c: {  	_ =	shalt  }
0x5d: {  	_ =	shalt  }
0x5e: {  	_ =	shalt  }
0x5f: {  	_ =	shalt  }
0x60: {  	_ =	shalt  }
0x61: {  	_ =	shalt  }
0x62: {  	_ =	shalt  }
0x63: {  	_ =	shalt  }
0x64: {  	_ =	shalt  }
0x65: {  	_ =	shalt  }
0x66: {  	_ =	shalt  }
0x67: {  	_ =	shalt  }
0x68: {  	_ =	shalt  }
0x69: {  	_ =	shalt  }
0x6a: {  	_ =	shalt  }
0x6b: {  	_ =	shalt  }
0x6c: {  	_ =	shalt  }
0x6d: {  	_ =	shalt  }
0x6e: {  	_ =	shalt  }
0x6f: {  	_ =	shalt  }
0x70: {  	_ =	shalt  }
0x71: {  	_ =	shalt  }
0x72: {  	_ =	shalt  }
0x73: {  	_ =	shalt  }
0x74: {  	_ =	shalt  }
0x75: {  	_ =	shalt  }
0x76: {  	_ =	shalt  }
0x77: {  	_ =	shalt  }
0x78: {  	_ =	shalt  }
0x79: {  	_ =	shalt  }
0x7a: {  	_ =	shalt  }
0x7b: {  	_ =	shalt  }
0x7c: {  	_ =	shalt  }
0x7d: {  	_ =	shalt  }
0x7e: {  	_ =	shalt  }
0x7f: {  	_ =	shalt  }
0x80: {  	_ =	shalt  }
0x81: {  	_ =	shalt  }
0x82: {  	_ =	shalt  }
0x83: {  	_ =	shalt  }
0x84: {  	_ =	shalt  }
0x85: {  	_ =	shalt  }
0x86: {  	_ =	shalt  }
0x87: {  	_ =	shalt  }
.Lfunc_end0:
.L_simem_size_0:
called_computation_lowered:
.L_overlay_start_0:
0x88: {  	s2 =	sld [smem:$0x3FD9]  }
0x89: {  	s3 =	sld [smem:$0x3FFE];
	_ =	sdelay $0x1  }
0x8a: {  	s1 =	srdreg.scid  }
0x8b: {  	s0 =	sand.u32 $0x1, s1  }
0x8c: {  	s17 =	sshll.u32 s0, $0xA;
	s2 =	sadd.s32 s3, s2  }
0x8d: {  	s2 =	sadd.s32 s2, s17  }
0x8e: {  	[smem:$0x3FC6] =	sst s2  }
0x8f: {  	_ = 	snop  }
0x90: {  	s2 =	sld [smem:$0x3FD0];
	(tm) =	ssettm $0x1  }
0x91: {  	s18 =	sld [smem:$0x3FFB];
	_ =	sdelay $0x3  }
0x92: {  	_ =	strace s18  }
0x93: {  	s3 =	sld [smem:$0x3FFC];
	_ =	sdelay $0x3  }
0x94: {  	_ =	strace s3  }
0x95: {  	s3 =	sld [smem:$0x3FFD];
	_ =	sdelay $0x3  }
0x96: {  	_ =	strace s3  }
0x97: {  	_ =	strace $0x8FFFFFFF  }
0x98: {  	s19 =	sld [smem:$0x3FDB];
	_ =	sdelay $0x1  }
0x99: {  	s4 =	simm.s32 $_scs_section_size  }
0x9a: {  	s5 =	simm.s32 $_size__tile_overlayer_lowered;
	s6 =	simm.s32 $_tile_overlayer_lowered  }
0x9b: {  	s22 =	simm.s32 $0x1BFF;
	s21 =	sshll.u32 s6, $0x1;
	s3 =	sadd.s32 s4, s19  }
0x9c: {  	s7 =	simm.s32 $0x0;
	s20 =	sshll.u32 s5, $0x1;
	s5 =	sadd.s32 s21, s3  }
0x9d: {  	[timem:s7], [sflag:s22] =	dma.local [hbm:s5], s20  }
0x9e: {  	_ =	swait.ge [sflag:s22], s20  }
0x9f: {  	s4 =	ssub.s32 $0x0, s20;
	[sflag:s22] =	ssyncset.done $0x0  }
0xa0: {  	[sflag:s22] =	ssyncadd.s32 s4;
	_ =	sdelay $0x1  }
0xa1: {  	s23 =	simm.s32 $0x1B8B  }
0xa2: {  	_ =	swait.ge [sflag:s23], $0x1  }
0xa3: {  	[sflag:s23] =	ssyncset.done $0x0  }
0xa4: {  	s25 =	simm.s32 $0x1B8E;
	s24 =	sld [smem:$0x3FFE];
	[sflag:s23] =	ssyncadd.s32 $0xFFFFFFFF  }
0xa5: {  	s26 =	simm.s32 $execute0_lowered;
	[smem:$0x3FD2] =	sst s25  }
0xa6: {  	s5 =	sshll.u32 s26, $0x1;
	_ =	strace $0x80000046;
	[dreg:$0x1] =	wrdreg $0xFFFFFFFF  }
0xa7: {  	s28 =	simm.s32 $_size_execute0_lowered;
	s3 =	sadd.s32 s3, s5;
	[dreg:$0x0] =	wrdreg $0x0  }
0xa8: {  	s5 =	sshll.u32 s28, $0x1;
	[dreg:$0x2] =	wrdreg s3  }
0xa9: {  	[dreg:$0x3] =	wrdreg s5  }
0xaa: {  	[dreg:$0x4] =	wrdreg $0xC0  }
0xab: {  	_ =	task [dreg:s7], $0x5FFFF  }
0xac: {  	[dreg:$0x1] =	wrdreg $0xFFFFFFFF  }
0xad: {  	[dreg:$0x0] =	wrdreg $0x60  }
0xae: {  	[dreg:$0x2] =	wrdreg s24  }
0xaf: {  	[dreg:$0x3] =	wrdreg s2  }
0xb0: {  	[dreg:$0x4] =	wrdreg $0x9  }
0xb1: {  	_ =	task.clear_ibuf [dreg:s7], $0x5FFFF;
	_ =	strace $0x90000046  }
0xb2: {  	s29 =	simm.s32 $0x9;
	_ =	strace $0x80000048  }
0xb3: {  	_ =	swait.ge [sflag:s29], $0x1  }
0xb4: {  	[sflag:s29] =	ssyncadd.s32 $0xFFFFFFFF  }
0xb5: {  	_ =	strace $0x90000048  }
0xb6: {  	_ =	sfence  }
0xb7: {  	s30 =	sld [smem:$0x0];
	_ =	sdelay $0x2  }
0xb8: {  	s31 =	sshll.u32 s1, $0xD;
	s1 =	sshrl.u32 s1, $0x2  }
0xb9: {  	s3 =	sand.u32 $0x4000, s31;
	s1 =	sadd.s32 s1, s30  }
0xba: {  	s0 =	sor.u32 s3, s0;
	s1 =	sshll.u32 s1, $0x11  }
0xbb: {  	s0 =	sor.u32 s1, s0  }
0xbc: {  	s0 =	sadd.s32 $0x8F2B, s0  }
0xbd: {  	[sflag:s0] =	ssyncadd.remote.s32 $0x1  }
0xbe: {  	_ =	sfence.sel $0xFFFF  }
0xbf: {  	[dreg:$0x0] =	wrdreg $0xFFFFFFFF;
	(pc) =	sbr.abs _section_cstart, $3  }
0xc0: {  	[dreg:$0x1] =	wrdreg $0xFFFFFFFF  }
0xc1: {  	_ =	task.clear_ibuf [dreg:s7], $0x2FFFF;
	_ =	strace $0x9FFFFFFF  }
0xc2: {  	(tm) =	ssettm $0x7FFFFFFF  }
0xc3: {  	_ =	shalt  }
tec
execute0_lowered:
.L_overlay_start_1:
0x0: {  	(tag) =	ssettag $0x1  }
0x1: {  	v0 =	vimm.s32 $0xEFCDAB89;
	v1 =	vimm.s32 $0x67452301;
	v2 =	vimm.s32 $0xDCFE98BA  }
0x2: {  	s5 =	rddreg [dreg:$0x0];
	v3 =	vimm.s32 $0x54761032;
	v4 =	vimm.s32 $0xBA98FEDC;
	v5 =	vimm.s32 $0xFEDCBA98  }
0x3: {  	s1 =	rddreg [dreg:$0x1];
	v6 =	vimm.s32 $0x32107654;
	v7 =	vimm.s32 $0x76543210;
	v0 =	vunpack.c.l.s4.s8 v0  }
0x4: {  	s0 =	rddreg [dreg:$0x2];
	s2 =	simm.s32 $0x0;
	s3 =	srdreg.scid;
	v1 =	vunpack.c.l.s4.s8 v1;
	v2 =	vunpack.c.l.s4.s8 v2;
	v3 =	vunpack.c.l.s4.s8 v3  }
0x5: {  	s10 =	simm.s32 $0x1;
	s11 =	simm.s32 $0xCB20;
	s12 =	simm.s32 $0x0;
	v5 =	vunpack.c.l.s4.s8 v5;
	v4 =	vunpack.c.l.s4.s8 v4;
	v6 =	vunpack.c.l.s4.s8 v6  }
0x6: {  	[smem:$0x7FF] =	sst s2;
	s6 =	sand.u32 $0x1, s3;
	s4 =	sadd.s32 $0x600, s5;
	v7 =	vunpack.c.l.s4.s8 v7;
	v0 =	vunpack.c.0.s8.s32 v0;
	v1 =	vunpack.c.0.s8.s32 v1  }
0x7: {  	s3 =	stileid.u32;
	s5 =	sadd.s32 $0x187000, s5;
	s7 =	ssub.s32 $0x2, s6;
	v2 =	vunpack.c.0.s8.s32 v2;
	v3 =	vunpack.c.0.s8.s32 v3;
	v5 =	vunpack.c.0.s8.s32 v5  }
0x8: {  	s9 =	sshll.u32 s3, $0x8;
	s6 =	sshll.u32 s6, $0x7;
	s8 =	sshrl.u32 s7, $0x1;
	v4 =	vunpack.c.0.s8.s32 v4;
	v6 =	vunpack.c.0.s8.s32 v6;
	v7 =	vunpack.c.0.s8.s32 v7  }
0x9: {  	_ =	strace $0x80000047;
	s6 =	sor.u32 s6, s9;
	s7 =	ssub.s32 s7, s8;
	v0 =	vcombine.low v1, v0;
	v1 =	vcombine.low v3, v2;
	v3 =	vand.u32 $0xF, v5  }
0xa: {  	s9 =	simm.s32 $0x320;
	s8 =	simm.s32 $0x2;
	s7 =	smax.u32 s7, $0x1;
	v2 =	vcombine.low v6, v4;
	v3 =	vcombine.low v3, v7  }
.LBB2_1:
0xb: {  	s13 =	simm.s32 $0x0  }
.LBB2_2:
0xc: {  	s14 =	sshll.u32 s13, $0x4  }
0xd: {  	s14 =	sadd.s32 s6, s14  }
0xe: {  	s15 =	smul.u32 $0x32, s14;
	_ =	sdelay $0x1  }
0xf: {  	s15 =	sshrl.u32 s15, $0x3  }
0x10: {  	s16 =	sadd.s32 s4, s15;
	s15 =	simm.s32 $0x0  }
0x11: {  	[tilespmem:s15], [sflag:$0x2] =	stream.linear.gather [hbm4b:s16+s15], $0x320, $0x38;
	[tilespmem:$0xCF20] =	vst v63  }
0x12: {  	_ =	swait.ge [sflag:s8], $0x320  }
0x13: {  	[sflag:s8] =	ssyncset.done $0x0  }
0x14: {  	[sflag:s8] =	ssyncadd.s32 $0xFFFFFCE0  }
0x15: {  	[tilespmem:s9], [sflag:$0x1] =	stream.indirect.gather [hbm4b:s5+s9], $0x40, s15, s9, $0xb8;
	[tilespmem:$0xCF20] =	vst v63  }
0x16: {  	_ =	swait.ge [sflag:s10], $0xC800  }
0x17: {  	[sflag:s10] =	ssyncset.done $0x0  }
0x18: {  	s16 =	simm.s32 $0x340;
	[sflag:s10] =	ssyncadd.s32 $0xFFFF3800  }
.LBB2_3:
0x19: {  	v6 =	vmov s16;
	_ =	sdelay $0x3  }
0x1a: {  	s18 =	simm.s32 $0x0  }
0x1b: {  	v4 =	vld.idx.msk [tilespmem:v6+s18+$0x10 ss:$0x1], $0xffff  }
0x1c: {  	v7 =	vld.idx.msk [tilespmem:v6+s18+$0xFFFFFFE0 ss:$0x1], $0xffff  }
0x1d: {  	v5 =	vimm.f32 $0.0e+00;
	v8 =	vld.idx.msk [tilespmem:v6+s18+$0xFFFFFFF0 ss:$0x1], $0xffff  }
0x1e: {  	s17 =	simm.s32 $0x100;
	v10 =	vimm.f32 $0.0e+00;
	v11 =	vimm.f32 $0.0e+00;
	v12 =	vimm.f32 $0.0e+00;
	v9 =	vld.idx.msk [tilespmem:v6+s18+$0x0 ss:$0x1], $0xffff  }
.LBB2_4:
0x1f: {  	p0 =	sne.s32 s17, $0x3100  }
.Ltmp0:
0x20: {  	s18 =	sshra.s32 s17, $0x2;
	s17 =	sadd.s32 $0x100, s17;
	(pc) =	sbr.rel @p0 .LBB2_4-.Ltmp0, $4  }
0x21: {  	v5 =	vadd.f32 v4, v5;
	v4 =	vld.idx.msk [tilespmem:v6+s18+$0x10 ss:$0x1], $0xffff  }
0x22: {  	v10 =	vadd.f32 v7, v10;
	v7 =	vld.idx.msk [tilespmem:v6+s18+$0xFFFFFFE0 ss:$0x1], $0xffff  }
0x23: {  	v11 =	vadd.f32 v8, v11;
	v8 =	vld.idx.msk [tilespmem:v6+s18+$0xFFFFFFF0 ss:$0x1], $0xffff  }
0x24: {  	v12 =	vadd.f32 v9, v12;
	v9 =	vld.idx.msk [tilespmem:v6+s18+$0x0 ss:$0x1], $0xffff  }
0x25: {  	_ =	sdelay $0x2  }
0x26: {  	v6 =	vadd.f32 v7, v10;
	v55 =	vadd.f32 v8, v11;
	_ =	sdelay $0x1  }
0x27: {  	v56 =	vadd.f32 v9, v12;
	v57 =	vmul.f32 v6, v6;
	v58 =	vmul.f32 v55, v55;
	_ =	sdelay $0x1  }
0x28: {  	v4 =	vadd.f32 v4, v5;
	v59 =	vmul.f32 v56, v56;
	v5 =	vadd.f32 v58, v57;
	_ =	sdelay $0x1  }
0x29: {  	v60 =	vmul.f32 v4, v4;
	v5 =	vadd.f32 v59, v5;
	_ =	sdelay $0x1  }
0x2a: {  	v5 =	vadd.f32 v60, v5;
	_ =	sdelay $0x1  }
0x2b: {  	v9 =	vperm.xlane v5, v0;
	_ =	sdelay $0x1  }
0x2c: {  	v5 =	vadd.f32 v9, v5;
	_ =	sdelay $0x1  }
0x2d: {  	v9 =	vperm.xlane v5, v1;
	_ =	sdelay $0x1  }
0x2e: {  	v5 =	vadd.f32 v9, v5;
	_ =	sdelay $0x1  }
0x2f: {  	v9 =	vperm.xlane v5, v2;
	_ =	sdelay $0x1  }
0x30: {  	v5 =	vadd.f32 v9, v5;
	_ =	sdelay $0x1  }
0x31: {  	v9 =	vperm.xlane v5, v3;
	_ =	sdelay $0x1  }
0x32: {  	v5 =	vadd.f32 v9, v5;
	_ =	sdelay $0x1  }
0x33: {  	v9 =	vshra.s32 v5, $0x1;
	v61 =	vmul.f32 $5.000000000e-01, v5  }
0x34: {  	v9 =	vsub.s32 $0x5F3759DF, v9  }
0x35: {  	v62 =	vmul.f32 v9, v61;
	_ =	sdelay $0x1  }
0x36: {  	v11 =	vmul.f32 v9, v62;
	_ =	sdelay $0x1  }
0x37: {  	v11 =	vsub.f32 $1.500000000e+00, v11;
	_ =	sdelay $0x1  }
0x38: {  	v9 =	vmul.f32 v9, v11;
	_ =	sdelay $0x1  }
0x39: {  	v11 =	vmul.f32 v9, v61;
	_ =	sdelay $0x1  }
0x3a: {  	v11 =	vmul.f32 v11, v9;
	_ =	sdelay $0x1  }
0x3b: {  	v11 =	vsub.f32 $1.500000000e+00, v11;
	_ =	sdelay $0x1  }
0x3c: {  	v9 =	vmul.f32 v11, v9;
	_ =	sdelay $0x1  }
0x3d: {  	v10 =	vmul.f32 v9, v61;
	_ =	sdelay $0x1  }
0x3e: {  	v10 =	vmul.f32 v10, v9;
	_ =	sdelay $0x1  }
0x3f: {  	v10 =	vsub.f32 $1.500000000e+00, v10;
	_ =	sdelay $0x1  }
0x40: {  	v9 =	vmul.f32 v10, v9;
	_ =	sdelay $0x1  }
0x41: {  	v5 =	vmul.f32 v9, v5;
	_ =	sdelay $0x1  }
0x42: {  	v5 =	vmax.f32 v5, $9.999999960e-13  }
0x43: {  	(erf) = vrcp.f32 v5;
	_ =	sdelay $0x8  }
0x44: {  	s17 =	sshll.u32 s15, $0x6;
	s15 =	sadd.s32 $0x1, s15;
	v5 =	vpop (erf)  }
0x45: {  	p0 =	sne.s32 s15, $0x10;
	v6 =	vmul.f32 v5, v6  }
.Ltmp1:
0x46: {  	s17 =	sand.u32 $0x3FFFFFC0, s17;
	v7 =	vmul.f32 v5, v55;
	(pc) =	sbr.rel @p0 .LBB2_3-.Ltmp1, $4  }
0x47: {  	v63 =	vmul.f32 v5, v56;
	[tilespmem:s17+$0xCB20] =	vst v6  }
0x48: {  	v4 =	vmul.f32 v5, v4;
	[tilespmem:s17+$0xCB30] =	vst v7  }
0x49: {  	[tilespmem:s17+$0xCB40] =	vst v63  }
0x4a: {  	s16 =	sadd.s32 $0xC80, s16;
	[tilespmem:s17+$0xCB50] =	vst v4  }
0x4b: {  	s13 =	sadd.s32 $0x1, s13  }
0x4c: {  	s14 =	sshll.u32 s14, $0x3;
	p0 =	sne.s32 s13, $0x8  }
.Ltmp2:
0x4d: {  	s14 =	sadd.s32 s1, s14;
	(pc) =	sbr.rel @p0 .LBB2_2-.Ltmp2, $4  }
0x4e: {  	[hbm4b:s14+s2] =	stream.linear.scatter [tilespmem:s11], [sflag:$0x2], $0x400, $0x38;
	[tilespmem:$0xCF20] =	vst v63  }
0x4f: {  	_ =	swait.ge [sflag:s8], $0x400  }
0x50: {  	[sflag:s8] =	ssyncset.done $0x0  }
0x51: {  	[sflag:s8] =	ssyncadd.s32 $0xFFFFFC00  }
0x52: {  	s12 =	sadd.s32 $0x1, s12  }
0x53: {  	p0 =	sne.s32 s12, s7  }
.Ltmp3:
0x54: {  	_ = 	snop;
	(pc) =	sbr.rel @p0 .LBB2_1-.Ltmp3, $1  }
0x55: {  	_ =	sdelay $0x3  }
0x56: {  	_ =	sfence.sel $0x180000  }
0x57: {  	[bflag:$0x0] =	sbarrier.arrive $0xFFFF  }
0x58: {  	p0 =	sne.s32 s3, $0x0;
	_ =	strace $0x90000047  }
0x59: {  	s0 =	sadd.s32 @!p0 $0x100000, s0;
	[bflag:$0x2] =	sbarrier.arrive $0xFFFF  }
0x5a: {  	[sflag:s0] =	ssyncadd.tile.s32 @!p0 $0x1;
	_ =	shalt  }
.Lfunc_end2:
_tile_overlayer_lowered:
.L_overlay_start_2:
0x5b: {  	(tag) =	ssettag $0x2  }
0x5c: {  	s0 =	rddreg [dreg:$0x0];
	s2 =	stileid.u32  }
0x5d: {  	s1 =	rddreg [dreg:$0x1];
	p0 =	sne.s32 s2, $0x0  }
0x5e: {  	s3 =	rddreg [dreg:$0x2];
	[bflag:$0x3] =	sbarrier.arrive $0xFFFF;
	s2 =	simm.s32 @!p0 $0x1C02  }
0x5f: {  	[timem:s3], [sflag:s2] =	dma.local @!p0 [hbm:s0], s1  }
0x60: {  	s0 =	simm.s32 @!p0 $0x2  }
0x61: {  	_ =	swait.ge @!p0 [sflag:s0], s1  }
0x62: {  	s1 =	ssub.s32 @!p0 $0x0, s1;
	[sflag:s0] =	ssyncset.done @!p0 $0x0  }
0x63: {  	[sflag:s0] =	ssyncadd.s32 @!p0 s1  }
0x64: {  	[bflag:$0x3] =	sbarrier.arrive $0xFFFF  }
0x65: {  	_ =	shalt  }

</sc_bundles>
